<compile_context>
chip_gen: v7x
topology: tpu7x:2x2x1
jax: 0.10.2.dev20260603
libtpu: 0.0.44.dev20260713+nightly
codegen_flags: <defaults>
</compile_context>

<pallas_src>
import jax
import jax.numpy as jnp
from jax import lax
from jax.experimental import pallas as pl
from jax.experimental.pallas import tpu as pltpu
from jax.experimental.pallas import tpu_sc as plsc

_B, _C, _N = 16, 256, 16384
_K = 4
_TOTAL_IN = _B * _C * _N
_TOTAL_OUT = _TOTAL_IN // _K
_NC, _NS = 2, 16
_NW = _NC * _NS
_IN_PER_W = _TOTAL_IN // _NW
_CH_IN = 32768
_CH_OUT = _CH_IN // _K
_N_CHUNKS = _IN_PER_W // _CH_IN
_GROUPS = _CH_IN // 64


def _pool_body(x_hbm, out_hbm, xv0, xv1, ov0, ov1, is0, is1, os0, os1):
    wid = lax.axis_index("s") * _NC + lax.axis_index("c")
    in_base = wid * _IN_PER_W
    out_base = wid * (_IN_PER_W // _K)
    lane = lax.broadcasted_iota(jnp.int32, (16,), 0)
    idx = [lane * _K + r for r in range(_K)]
    xvs, ovs = (xv0, xv1), (ov0, ov1)
    isems, osems = (is0, is1), (os0, os1)

    pltpu.async_copy(x_hbm.at[pl.ds(in_base, _CH_IN)], xv0, is0)

    def pair_body(c0, carry):
        for b in (0, 1):
            c = 2 * c0 + b
            pltpu.make_async_copy(
                x_hbm.at[pl.ds(0, _CH_IN)], xvs[b], isems[b]).wait()

            @pl.when(c + 1 < _N_CHUNKS)
            def _():
                pltpu.async_copy(
                    x_hbm.at[pl.ds(in_base + (c + 1) * _CH_IN, _CH_IN)],
                    xvs[1 - b], isems[1 - b])

            @pl.when(c0 >= 1)
            def _():
                pltpu.make_async_copy(
                    ovs[b], out_hbm.at[pl.ds(0, _CH_OUT)], osems[b]).wait()

            x_v, out_v = xvs[b], ovs[b]

            @plsc.parallel_loop(0, _GROUPS, unroll=4)
            def _(i):
                sl = x_v.at[pl.ds(i * 64, 64)]
                a = plsc.load_gather(sl, [idx[0]])
                bb = plsc.load_gather(sl, [idx[1]])
                cc = plsc.load_gather(sl, [idx[2]])
                dd = plsc.load_gather(sl, [idx[3]])
                out_v[pl.ds(i * 16, 16)] = (a + bb + cc + dd) * 0.25

            pltpu.async_copy(
                out_v, out_hbm.at[pl.ds(out_base + c * _CH_OUT, _CH_OUT)],
                osems[b])
        return carry

    lax.fori_loop(0, _N_CHUNKS // 2, pair_body, 0)
    for b in (0, 1):
        pltpu.make_async_copy(
            ovs[b], out_hbm.at[pl.ds(0, _CH_OUT)], osems[b]).wait()


def kernel(x):
    xf = x.reshape(_TOTAL_IN)
    mesh = plsc.VectorSubcoreMesh(core_axis_name="c", subcore_axis_name="s")
    out = pl.kernel(
        _pool_body,
        out_type=jax.ShapeDtypeStruct((_TOTAL_OUT,), jnp.float32),
        mesh=mesh,
        scratch_types=[
            pltpu.VMEM((_CH_IN,), jnp.float32),
            pltpu.VMEM((_CH_IN,), jnp.float32),
            pltpu.VMEM((_CH_OUT,), jnp.float32),
            pltpu.VMEM((_CH_OUT,), jnp.float32),
            pltpu.SemaphoreType.DMA,
            pltpu.SemaphoreType.DMA,
            pltpu.SemaphoreType.DMA,
            pltpu.SemaphoreType.DMA,
        ],
        compiler_params=pltpu.CompilerParams(needs_layout_passes=False),
    )(xf)
    return out.reshape(_B, _C, _N // _K)

# --- scband reference (transcript-rebuilt; emitter-appended) ---
"""Pipeline reference for scband-hex-circle-pool-86062554677552 (READ-ONLY COPY).

The authoritative reference and input builder live on the scoring server;
editing this copy changes nothing except your own understanding.
"""

import jax, jax.numpy as jnp
import numpy as np

KERNEL_SIZE = 4
N_PIXELS = 16384
MODE = 'avg'


def get_clusters(n_pixels, kernel_size):
    # Contiguous hex-ring clustering: groups of `kernel_size` consecutive pixels,
    # padded with -1 for the (possibly) incomplete trailing cluster.
    n_clusters = (n_pixels + kernel_size - 1) // kernel_size
    clusters = []
    for i in range(n_clusters):
        c = [i * kernel_size + j if i * kernel_size + j < n_pixels else -1 for j in range(kernel_size)]
        clusters.append(c)
    return clusters


def setup_inputs(seed: int = 0) -> dict:
    key = jax.random.key(seed)
    x = jax.random.normal(key, (16, 256, N_PIXELS), dtype=jnp.float32)
    return {"x": x}


def reference(x):
    B, C, N = x.shape
    assert N == N_PIXELS
    clusters = get_clusters(N_PIXELS, KERNEL_SIZE)
    idx_np = np.array(clusters, dtype=np.int64)  # (n_clusters, kernel_size)
    # N_PIXELS is divisible by KERNEL_SIZE, so no -1 padding entries exist;
    # every cluster has exactly KERNEL_SIZE valid indices (matches the torch
    # per-cluster index_select + mean/max loop exactly).
    idx = jnp.asarray(idx_np)
    n_clusters, k = idx.shape
    gathered = jnp.take(x, idx.reshape(-1), axis=2).reshape(B, C, n_clusters, k)
    if MODE == 'avg':
        pooled = gathered.mean(axis=3)
    else:
        pooled = gathered.max(axis=3)
    return pooled

if __name__ == "__main__":
    import jax
    _d = setup_inputs()
    print(jax.jit(kernel)(*tuple(_d.values())))

</pallas_src>

<mosaic_0001>
#map = affine_map<(d0, d1) -> (0)>
module attributes {stable_mosaic.version = 14 : i64} {
  func.func @_pool_body(%arg0: i32, %arg1: i32, %arg2: memref<67108864xf32, #tpu.memory_space<hbm>>, %arg3: memref<16777216xf32, #tpu.memory_space<hbm>>, %arg4: memref<32768xf32, #tpu.memory_space<vmem>>, %arg5: memref<32768xf32, #tpu.memory_space<vmem>>, %arg6: memref<8192xf32, #tpu.memory_space<vmem>>, %arg7: memref<8192xf32, #tpu.memory_space<vmem>>, %arg8: memref<!tpu.dma_semaphore, #tpu.memory_space<semaphore_mem>>, %arg9: memref<!tpu.dma_semaphore, #tpu.memory_space<semaphore_mem>>, %arg10: memref<!tpu.dma_semaphore, #tpu.memory_space<semaphore_mem>>, %arg11: memref<!tpu.dma_semaphore, #tpu.memory_space<semaphore_mem>>) attributes {dimension_semantics = [#tpu.dimension_semantics<core_parallel>, #tpu.dimension_semantics<subcore_parallel>], iteration_bounds = array<i64: 2, 16>, scalar_prefetch = 0 : i64, scratch_operands = 8 : i64, tpu.core_type = #tpu.core_type<sc_vector_subcore>, window_params = [{transform_indices = #map}, {transform_indices = #map}]} {
    %mul3A = arith.constant 2 : i32
    %mul3A_0 = arith.muli %arg1, %mul3A : i32
    %add3A = arith.addi %mul3A_0, %arg0 : i32
    %mul3A_1 = arith.constant 2097152 : i32
    %mul3A_2 = arith.muli %add3A, %mul3A_1 : i32
    %mul3A_3 = arith.constant 524288 : i32
    %mul3A_4 = arith.muli %add3A, %mul3A_3 : i32
    %iota3A = tpu.iota {dimensions = array<i32: 0>} : vector<16xi32>
    %mul3A_5 = arith.constant 4 : i32
    %mul3A_6 = vector.broadcast %mul3A_5 : i32 to vector<16xi32>
    %mul3A_7 = arith.muli %iota3A, %mul3A_6 : vector<16xi32>
    %add3A_8 = arith.constant 0 : i32
    %add3A_9 = vector.broadcast %add3A_8 : i32 to vector<16xi32>
    %add3A_10 = arith.addi %mul3A_7, %add3A_9 : vector<16xi32>
    %mul3A_11 = arith.constant 4 : i32
    %mul3A_12 = vector.broadcast %mul3A_11 : i32 to vector<16xi32>
    %mul3A_13 = arith.muli %iota3A, %mul3A_12 : vector<16xi32>
    %add3A_14 = arith.constant 1 : i32
    %add3A_15 = vector.broadcast %add3A_14 : i32 to vector<16xi32>
    %add3A_16 = arith.addi %mul3A_13, %add3A_15 : vector<16xi32>
    %mul3A_17 = arith.constant 4 : i32
    %mul3A_18 = vector.broadcast %mul3A_17 : i32 to vector<16xi32>
    %mul3A_19 = arith.muli %iota3A, %mul3A_18 : vector<16xi32>
    %add3A_20 = arith.constant 2 : i32
    %add3A_21 = vector.broadcast %add3A_20 : i32 to vector<16xi32>
    %add3A_22 = arith.addi %mul3A_19, %add3A_21 : vector<16xi32>
    %mul3A_23 = arith.constant 4 : i32
    %mul3A_24 = vector.broadcast %mul3A_23 : i32 to vector<16xi32>
    %mul3A_25 = arith.muli %iota3A, %mul3A_24 : vector<16xi32>
    %add3A_26 = arith.constant 3 : i32
    %add3A_27 = vector.broadcast %add3A_26 : i32 to vector<16xi32>
    %add3A_28 = arith.addi %mul3A_25, %add3A_27 : vector<16xi32>
    %dma_start3A = tpu.memref_slice %arg2[%mul3A_2] : memref<67108864xf32, #tpu.memory_space<hbm>> -> memref<32768xf32, #tpu.memory_space<hbm>>
    %dma_start3A_29 = tpu.memref_slice %arg2[%mul3A_2] : memref<67108864xf32, #tpu.memory_space<hbm>> -> memref<32768xf32, #tpu.memory_space<hbm>>
    tpu.enqueue_dma source(%dma_start3A_29 : memref<32768xf32, #tpu.memory_space<hbm>>) target(%arg4 : memref<32768xf32, #tpu.memory_space<vmem>>) target_semaphore(%arg8 : memref<!tpu.dma_semaphore, #tpu.memory_space<semaphore_mem>>)
    %scan3A = arith.constant 0 : i32
    %scan3A_30 = arith.constant 0 : i32
    %scan3A_31 = arith.constant 32 : i32
    %scan3A_32 = arith.addi %scan3A_30, %scan3A_31 : i32
    %scan3A_33 = arith.constant 1 : i32
    scf.for %scan3A_42 = %scan3A_30 to %scan3A_32 step %scan3A_33  : i32 {
      %mul3A_43 = arith.constant 2 : i32
      %mul3A_44 = arith.muli %mul3A_43, %scan3A_42 : i32
      %add3A_45 = arith.constant 0 : i32
      %add3A_46 = arith.addi %mul3A_44, %add3A_45 : i32
      %dma_wait3A_47 = arith.constant 0 : i32
      %dma_wait3A_48 = tpu.memref_slice %arg2[%dma_wait3A_47] : memref<67108864xf32, #tpu.memory_space<hbm>> -> memref<32768xf32, #tpu.memory_space<hbm>>
      %dma_wait3A_49 = arith.constant 0 : i32
      %dma_wait3A_50 = tpu.memref_slice %arg2[%dma_wait3A_49] : memref<67108864xf32, #tpu.memory_space<hbm>> -> memref<32768xf32, #tpu.memory_space<hbm>>
      tpu.wait_dma2 semaphore(%arg8 : memref<!tpu.dma_semaphore, #tpu.memory_space<semaphore_mem>>) src(%dma_wait3A_50 : memref<32768xf32, #tpu.memory_space<hbm>>) dst(%arg4 : memref<32768xf32, #tpu.memory_space<vmem>>)
      %add3A_51 = arith.constant 1 : i32
      %add3A_52 = arith.addi %add3A_46, %add3A_51 : i32
      %lt3A = arith.constant 64 : i32
      %lt3A_53 = arith.cmpi slt, %add3A_52, %lt3A : i32
      %convert_element_type3A = arith.extui %lt3A_53 : i1 to i32
      %cond3A = arith.constant 0 : i32
      %cond3A_54 = arith.cmpi ne, %convert_element_type3A, %cond3A : i32
      scf.if %cond3A_54 {
        %add3A_94 = arith.constant 1 : i32
        %add3A_95 = arith.addi %add3A_46, %add3A_94 : i32
        %mul3A_96 = arith.constant 32768 : i32
        %mul3A_97 = arith.muli %add3A_95, %mul3A_96 : i32
        %add3A_98 = arith.addi %mul3A_2, %mul3A_97 : i32
        %dma_start3A_99 = tpu.memref_slice %arg2[%add3A_98] : memref<67108864xf32, #tpu.memory_space<hbm>> -> memref<32768xf32, #tpu.memory_space<hbm>>
        %dma_start3A_100 = tpu.memref_slice %arg2[%add3A_98] : memref<67108864xf32, #tpu.memory_space<hbm>> -> memref<32768xf32, #tpu.memory_space<hbm>>
        tpu.enqueue_dma source(%dma_start3A_100 : memref<32768xf32, #tpu.memory_space<hbm>>) target(%arg5 : memref<32768xf32, #tpu.memory_space<vmem>>) target_semaphore(%arg9 : memref<!tpu.dma_semaphore, #tpu.memory_space<semaphore_mem>>)
      } else {
      }
      %ge3A = arith.constant 1 : i32
      %ge3A_55 = arith.cmpi sge, %scan3A_42, %ge3A : i32
      %convert_element_type3A_56 = arith.extui %ge3A_55 : i1 to i32
      %cond3A_57 = arith.constant 0 : i32
      %cond3A_58 = arith.cmpi ne, %convert_element_type3A_56, %cond3A_57 : i32
      scf.if %cond3A_58 {
        %dma_wait3A_94 = arith.constant 0 : i32
        %dma_wait3A_95 = tpu.memref_slice %arg3[%dma_wait3A_94] : memref<16777216xf32, #tpu.memory_space<hbm>> -> memref<8192xf32, #tpu.memory_space<hbm>>
        %dma_wait3A_96 = arith.constant 0 : i32
        %dma_wait3A_97 = tpu.memref_slice %arg3[%dma_wait3A_96] : memref<16777216xf32, #tpu.memory_space<hbm>> -> memref<8192xf32, #tpu.memory_space<hbm>>
        tpu.wait_dma2 semaphore(%arg10 : memref<!tpu.dma_semaphore, #tpu.memory_space<semaphore_mem>>) src(%arg6 : memref<8192xf32, #tpu.memory_space<vmem>>) dst(%dma_wait3A_97 : memref<8192xf32, #tpu.memory_space<hbm>>)
      } else {
      }
      %parallel_loop3A = arith.constant 0 : i32
      %parallel_loop3A_59 = arith.constant 512 : i32
      %parallel_loop3A_60 = arith.constant 1 : i32
      scf.for %parallel_loop3A_94 = %parallel_loop3A to %parallel_loop3A_59 step %parallel_loop3A_60  : i32 {
        %parallel_loop3A_95 = arith.constant 64 : i32
        %parallel_loop3A_96 = arith.muli %parallel_loop3A_94, %parallel_loop3A_95 : i32
        %parallel_loop3A_97 = tpu.memref_slice %arg4[%parallel_loop3A_96] : memref<32768xf32, #tpu.memory_space<vmem>> -> memref<64xf32, #tpu.memory_space<vmem>>
        %parallel_loop3A_98 = tpu.vector_load_idx %parallel_loop3A_97[%add3A_10] : memref<64xf32, #tpu.memory_space<vmem>>[vector<16xi32>], vector<16xf32>,
        %parallel_loop3A_99 = tpu.memref_slice %arg4[%parallel_loop3A_96] : memref<32768xf32, #tpu.memory_space<vmem>> -> memref<64xf32, #tpu.memory_space<vmem>>
        %parallel_loop3A_100 = tpu.vector_load_idx %parallel_loop3A_99[%add3A_16] : memref<64xf32, #tpu.memory_space<vmem>>[vector<16xi32>], vector<16xf32>,
        %parallel_loop3A_101 = tpu.memref_slice %arg4[%parallel_loop3A_96] : memref<32768xf32, #tpu.memory_space<vmem>> -> memref<64xf32, #tpu.memory_space<vmem>>
        %parallel_loop3A_102 = tpu.vector_load_idx %parallel_loop3A_101[%add3A_22] : memref<64xf32, #tpu.memory_space<vmem>>[vector<16xi32>], vector<16xf32>,
        %parallel_loop3A_103 = tpu.memref_slice %arg4[%parallel_loop3A_96] : memref<32768xf32, #tpu.memory_space<vmem>> -> memref<64xf32, #tpu.memory_space<vmem>>
        %parallel_loop3A_104 = tpu.vector_load_idx %parallel_loop3A_103[%add3A_28] : memref<64xf32, #tpu.memory_space<vmem>>[vector<16xi32>], vector<16xf32>,
        %parallel_loop3A_105 = arith.addf %parallel_loop3A_98, %parallel_loop3A_100 : vector<16xf32>
        %parallel_loop3A_106 = arith.addf %parallel_loop3A_105, %parallel_loop3A_102 : vector<16xf32>
        %parallel_loop3A_107 = arith.addf %parallel_loop3A_106, %parallel_loop3A_104 : vector<16xf32>
        %parallel_loop3A_108 = arith.constant 2.500000e-01 : f32
        %parallel_loop3A_109 = vector.broadcast %parallel_loop3A_108 : f32 to vector<16xf32>
        %parallel_loop3A_110 = arith.mulf %parallel_loop3A_107, %parallel_loop3A_109 : vector<16xf32>
        %parallel_loop3A_111 = arith.constant 16 : i32
        %parallel_loop3A_112 = arith.muli %parallel_loop3A_94, %parallel_loop3A_111 : i32
        %parallel_loop3A_113 = arith.index_cast %parallel_loop3A_112 : i32 to index
        %parallel_loop3A_114 = tpu.vector_load %arg6[%parallel_loop3A_113] {strides = array<i32>} : memref<8192xf32, #tpu.memory_space<vmem>>, vector<16xf32>,
        tpu.vector_store %arg6[%parallel_loop3A_113], %parallel_loop3A_110 {strides = array<i32>} : memref<8192xf32, #tpu.memory_space<vmem>>, vector<16xf32>,
      } {sc.loop_unroll_factor = 4 : i64, sc.parallel_access}
      %mul3A_61 = arith.constant 8192 : i32
      %mul3A_62 = arith.muli %add3A_46, %mul3A_61 : i32
      %add3A_63 = arith.addi %mul3A_4, %mul3A_62 : i32
      %dma_start3A_64 = tpu.memref_slice %arg3[%add3A_63] : memref<16777216xf32, #tpu.memory_space<hbm>> -> memref<8192xf32, #tpu.memory_space<hbm>>
      %dma_start3A_65 = tpu.memref_slice %arg3[%add3A_63] : memref<16777216xf32, #tpu.memory_space<hbm>> -> memref<8192xf32, #tpu.memory_space<hbm>>
      tpu.enqueue_dma source(%arg6 : memref<8192xf32, #tpu.memory_space<vmem>>) target(%dma_start3A_65 : memref<8192xf32, #tpu.memory_space<hbm>>) target_semaphore(%arg10 : memref<!tpu.dma_semaphore, #tpu.memory_space<semaphore_mem>>)
      %mul3A_66 = arith.constant 2 : i32
      %mul3A_67 = arith.muli %mul3A_66, %scan3A_42 : i32
      %add3A_68 = arith.constant 1 : i32
      %add3A_69 = arith.addi %mul3A_67, %add3A_68 : i32
      %dma_wait3A_70 = arith.constant 0 : i32
      %dma_wait3A_71 = tpu.memref_slice %arg2[%dma_wait3A_70] : memref<67108864xf32, #tpu.memory_space<hbm>> -> memref<32768xf32, #tpu.memory_space<hbm>>
      %dma_wait3A_72 = arith.constant 0 : i32
      %dma_wait3A_73 = tpu.memref_slice %arg2[%dma_wait3A_72] : memref<67108864xf32, #tpu.memory_space<hbm>> -> memref<32768xf32, #tpu.memory_space<hbm>>
      tpu.wait_dma2 semaphore(%arg9 : memref<!tpu.dma_semaphore, #tpu.memory_space<semaphore_mem>>) src(%dma_wait3A_73 : memref<32768xf32, #tpu.memory_space<hbm>>) dst(%arg5 : memref<32768xf32, #tpu.memory_space<vmem>>)
      %add3A_74 = arith.constant 1 : i32
      %add3A_75 = arith.addi %add3A_69, %add3A_74 : i32
      %lt3A_76 = arith.constant 64 : i32
      %lt3A_77 = arith.cmpi slt, %add3A_75, %lt3A_76 : i32
      %convert_element_type3A_78 = arith.extui %lt3A_77 : i1 to i32
      %cond3A_79 = arith.constant 0 : i32
      %cond3A_80 = arith.cmpi ne, %convert_element_type3A_78, %cond3A_79 : i32
      scf.if %cond3A_80 {
        %add3A_94 = arith.constant 1 : i32
        %add3A_95 = arith.addi %add3A_69, %add3A_94 : i32
        %mul3A_96 = arith.constant 32768 : i32
        %mul3A_97 = arith.muli %add3A_95, %mul3A_96 : i32
        %add3A_98 = arith.addi %mul3A_2, %mul3A_97 : i32
        %dma_start3A_99 = tpu.memref_slice %arg2[%add3A_98] : memref<67108864xf32, #tpu.memory_space<hbm>> -> memref<32768xf32, #tpu.memory_space<hbm>>
        %dma_start3A_100 = tpu.memref_slice %arg2[%add3A_98] : memref<67108864xf32, #tpu.memory_space<hbm>> -> memref<32768xf32, #tpu.memory_space<hbm>>
        tpu.enqueue_dma source(%dma_start3A_100 : memref<32768xf32, #tpu.memory_space<hbm>>) target(%arg4 : memref<32768xf32, #tpu.memory_space<vmem>>) target_semaphore(%arg8 : memref<!tpu.dma_semaphore, #tpu.memory_space<semaphore_mem>>)
      } else {
      }
      %ge3A_81 = arith.constant 1 : i32
      %ge3A_82 = arith.cmpi sge, %scan3A_42, %ge3A_81 : i32
      %convert_element_type3A_83 = arith.extui %ge3A_82 : i1 to i32
      %cond3A_84 = arith.constant 0 : i32
      %cond3A_85 = arith.cmpi ne, %convert_element_type3A_83, %cond3A_84 : i32
      scf.if %cond3A_85 {
        %dma_wait3A_94 = arith.constant 0 : i32
        %dma_wait3A_95 = tpu.memref_slice %arg3[%dma_wait3A_94] : memref<16777216xf32, #tpu.memory_space<hbm>> -> memref<8192xf32, #tpu.memory_space<hbm>>
        %dma_wait3A_96 = arith.constant 0 : i32
        %dma_wait3A_97 = tpu.memref_slice %arg3[%dma_wait3A_96] : memref<16777216xf32, #tpu.memory_space<hbm>> -> memref<8192xf32, #tpu.memory_space<hbm>>
        tpu.wait_dma2 semaphore(%arg11 : memref<!tpu.dma_semaphore, #tpu.memory_space<semaphore_mem>>) src(%arg7 : memref<8192xf32, #tpu.memory_space<vmem>>) dst(%dma_wait3A_97 : memref<8192xf32, #tpu.memory_space<hbm>>)
      } else {
      }
      %parallel_loop3A_86 = arith.constant 0 : i32
      %parallel_loop3A_87 = arith.constant 512 : i32
      %parallel_loop3A_88 = arith.constant 1 : i32
      scf.for %parallel_loop3A_94 = %parallel_loop3A_86 to %parallel_loop3A_87 step %parallel_loop3A_88  : i32 {
        %parallel_loop3A_95 = arith.constant 64 : i32
        %parallel_loop3A_96 = arith.muli %parallel_loop3A_94, %parallel_loop3A_95 : i32
        %parallel_loop3A_97 = tpu.memref_slice %arg5[%parallel_loop3A_96] : memref<32768xf32, #tpu.memory_space<vmem>> -> memref<64xf32, #tpu.memory_space<vmem>>
        %parallel_loop3A_98 = tpu.vector_load_idx %parallel_loop3A_97[%add3A_10] : memref<64xf32, #tpu.memory_space<vmem>>[vector<16xi32>], vector<16xf32>,
        %parallel_loop3A_99 = tpu.memref_slice %arg5[%parallel_loop3A_96] : memref<32768xf32, #tpu.memory_space<vmem>> -> memref<64xf32, #tpu.memory_space<vmem>>
        %parallel_loop3A_100 = tpu.vector_load_idx %parallel_loop3A_99[%add3A_16] : memref<64xf32, #tpu.memory_space<vmem>>[vector<16xi32>], vector<16xf32>,
        %parallel_loop3A_101 = tpu.memref_slice %arg5[%parallel_loop3A_96] : memref<32768xf32, #tpu.memory_space<vmem>> -> memref<64xf32, #tpu.memory_space<vmem>>
        %parallel_loop3A_102 = tpu.vector_load_idx %parallel_loop3A_101[%add3A_22] : memref<64xf32, #tpu.memory_space<vmem>>[vector<16xi32>], vector<16xf32>,
        %parallel_loop3A_103 = tpu.memref_slice %arg5[%parallel_loop3A_96] : memref<32768xf32, #tpu.memory_space<vmem>> -> memref<64xf32, #tpu.memory_space<vmem>>
        %parallel_loop3A_104 = tpu.vector_load_idx %parallel_loop3A_103[%add3A_28] : memref<64xf32, #tpu.memory_space<vmem>>[vector<16xi32>], vector<16xf32>,
        %parallel_loop3A_105 = arith.addf %parallel_loop3A_98, %parallel_loop3A_100 : vector<16xf32>
        %parallel_loop3A_106 = arith.addf %parallel_loop3A_105, %parallel_loop3A_102 : vector<16xf32>
        %parallel_loop3A_107 = arith.addf %parallel_loop3A_106, %parallel_loop3A_104 : vector<16xf32>
        %parallel_loop3A_108 = arith.constant 2.500000e-01 : f32
        %parallel_loop3A_109 = vector.broadcast %parallel_loop3A_108 : f32 to vector<16xf32>
        %parallel_loop3A_110 = arith.mulf %parallel_loop3A_107, %parallel_loop3A_109 : vector<16xf32>
        %parallel_loop3A_111 = arith.constant 16 : i32
        %parallel_loop3A_112 = arith.muli %parallel_loop3A_94, %parallel_loop3A_111 : i32
        %parallel_loop3A_113 = arith.index_cast %parallel_loop3A_112 : i32 to index
        %parallel_loop3A_114 = tpu.vector_load %arg7[%parallel_loop3A_113] {strides = array<i32>} : memref<8192xf32, #tpu.memory_space<vmem>>, vector<16xf32>,
        tpu.vector_store %arg7[%parallel_loop3A_113], %parallel_loop3A_110 {strides = array<i32>} : memref<8192xf32, #tpu.memory_space<vmem>>, vector<16xf32>,
      } {sc.loop_unroll_factor = 4 : i64, sc.parallel_access}
      %mul3A_89 = arith.constant 8192 : i32
      %mul3A_90 = arith.muli %add3A_69, %mul3A_89 : i32
      %add3A_91 = arith.addi %mul3A_4, %mul3A_90 : i32
      %dma_start3A_92 = tpu.memref_slice %arg3[%add3A_91] : memref<16777216xf32, #tpu.memory_space<hbm>> -> memref<8192xf32, #tpu.memory_space<hbm>>
      %dma_start3A_93 = tpu.memref_slice %arg3[%add3A_91] : memref<16777216xf32, #tpu.memory_space<hbm>> -> memref<8192xf32, #tpu.memory_space<hbm>>
      tpu.enqueue_dma source(%arg7 : memref<8192xf32, #tpu.memory_space<vmem>>) target(%dma_start3A_93 : memref<8192xf32, #tpu.memory_space<hbm>>) target_semaphore(%arg11 : memref<!tpu.dma_semaphore, #tpu.memory_space<semaphore_mem>>)
    }
    %scan3A_34 = arith.constant 32 : i32
    %dma_wait3A = arith.constant 0 : i32
    %dma_wait3A_35 = tpu.memref_slice %arg3[%dma_wait3A] : memref<16777216xf32, #tpu.memory_space<hbm>> -> memref<8192xf32, #tpu.memory_space<hbm>>
    %dma_wait3A_36 = arith.constant 0 : i32
    %dma_wait3A_37 = tpu.memref_slice %arg3[%dma_wait3A_36] : memref<16777216xf32, #tpu.memory_space<hbm>> -> memref<8192xf32, #tpu.memory_space<hbm>>
    tpu.wait_dma2 semaphore(%arg10 : memref<!tpu.dma_semaphore, #tpu.memory_space<semaphore_mem>>) src(%arg6 : memref<8192xf32, #tpu.memory_space<vmem>>) dst(%dma_wait3A_37 : memref<8192xf32, #tpu.memory_space<hbm>>)
    %dma_wait3A_38 = arith.constant 0 : i32
    %dma_wait3A_39 = tpu.memref_slice %arg3[%dma_wait3A_38] : memref<16777216xf32, #tpu.memory_space<hbm>> -> memref<8192xf32, #tpu.memory_space<hbm>>
    %dma_wait3A_40 = arith.constant 0 : i32
    %dma_wait3A_41 = tpu.memref_slice %arg3[%dma_wait3A_40] : memref<16777216xf32, #tpu.memory_space<hbm>> -> memref<8192xf32, #tpu.memory_space<hbm>>
    tpu.wait_dma2 semaphore(%arg11 : memref<!tpu.dma_semaphore, #tpu.memory_space<semaphore_mem>>) src(%arg7 : memref<8192xf32, #tpu.memory_space<vmem>>) dst(%dma_wait3A_41 : memref<8192xf32, #tpu.memory_space<hbm>>)
    return
  }
}

</mosaic_0001>

<sc_bundles>
// kernel: kernel.3.cloned.1.call-start
scs
__scs_entry_jumppad:
0x0: {  	(pc) =	sbr.rel $0x88, $3  }
0x1: {  	(tag) =	ssettag $0x0;
	lr =	simm.s32 $0x1  }
0x2: {  	[smem:$0x3FA0] =	sst lr;
	_ =	strace $0xD0000000  }
0x3: {  	_ = 	snop  }
0x4: {  	_ = 	snop  }
0x5: {  	_ = 	snop  }
0x6: {  	_ = 	snop  }
0x7: {  	_ = 	snop  }
__scs_overlays_trampoline_lowered:
0x8: {  	[smem:$0x3FAF] =	sst s0  }
0x9: {  	[smem:$0x3FB0] =	sst s1  }
0xa: {  	[smem:$0x3FB1] =	sst s2  }
0xb: {  	[smem:$0x3FB2] =	sst s3  }
0xc: {  	[smem:$0x3FB3] =	sst s4  }
0xd: {  	[smem:$0x3FB4] =	sst s5  }
0xe: {  	[smem:$0x3FB5] =	sst s6  }
0xf: {  	[smem:$0x3FB6] =	sst s7  }
0x10: {  	[smem:$0x3FB7] =	sst s8  }
0x11: {  	[smem:$0x3FB8] =	sst s9;
	s0 =	simm.s32 @!p0 $0x0  }
0x12: {  	s1 =	sld [smem:$0x3F9E];
	s0 =	simm.s32 @p0 $0x1  }
0x13: {  	[smem:$0x3FB9] =	sst s0;
	s0 =	simm.s32 @!p1 $0x0  }
0x14: {  	s2 =	sld [smem:$0x3F9D];
	s0 =	simm.s32 @p1 $0x1  }
0x15: {  	[smem:$0x3FBA] =	sst s0;
	s0 =	simm.s32 @!p2 $0x0  }
0x16: {  	s3 =	sld [smem:$0x3FDB];
	s0 =	simm.s32 @p2 $0x1  }
0x17: {  	s4 =	simm.s32 $0x1BF5;
	[smem:$0x3FBC] =	sst s0  }
0x18: {  	s0 =	sld [smem:$0x3F9F];
	_ =	swait.ge [sflag:s4], $0x0  }
0x19: {  	s7 =	sld [smem:$0x3FA0]  }
0x1a: {  	s8 =	sadd.s32 $0xFFFFE003, lr  }
0x1b: {  	s9 =	sadd.s32 $0xFFFFFEF7, lr;
	s5 =	simm.s32 $0xFFFFFFFF;
	p2 =	slt.u32 s8, $0xFFFFF086  }
0x1c: {  	p1 =	slt.u32 s9, $0xF7A;
	s5 =	simm.s32 @!p2 $0x0  }
0x1d: {  	s5 =	simm.s32 @p1 $0x1;
	p0 =	seq.s32 s7, s2  }
0x1e: {  	s7 =	smul.u32 @!p0 $0xF7A, s2;
	p2 =	seq.s32 @!p0 s5, $0x0  }
0x1f: {  	s9 =	smul.u32 $0xF7A, s1;
	s8 =	simm.s32 @!p0 $0x1BF5;
	p2 =	por !p2, p0  }
0x20: {  	[sflag:s8] =	ssyncset.s32 @!p0 $0xFFFFF086;
	s6 =	sadd.s32 @!p0 s3, s7;
	s7 =	simm.s32 @!p0 $0x108  }
0x21: {  	s3 =	sadd.s32 s3, s9;
	s6 =	sadd.s32 @!p0 $0x88, s6;
	s7 =	simm.s32 @p2 $0x1082  }
0x22: {  	[simem:s7], [sflag:s8] =	dma.local @!p0 [hbm:s6], $0xF7A  }
0x23: {  	s9 =	sor.u32 $0xD0000000, s2;
	s6 =	simm.s32 $0x108;
	_ =	swait.ge @!p0 [sflag:s8], $0x0  }
0x24: {  	s3 =	sadd.s32 $0x88, s3;
	s6 =	simm.s32 @!p1 $0x1082;
	[sflag:s4] =	ssyncset.s32 $0xFFFFF086  }
0x25: {  	[simem:s6], [sflag:s4] =	dma.local [hbm:s3], $0xF7A  }
0x26: {  	[smem:$0x3FA0] =	sst s1;
	(tag) =	ssettag s2;
	_ =	strace s9  }
0x27: {  	s1 =	sld [smem:$0x3FB0]  }
0x28: {  	s2 =	sld [smem:$0x3FB1]  }
0x29: {  	s4 =	sld [smem:$0x3FB3]  }
0x2a: {  	p0 =	seq.s32 s5, $0x0;
	s5 =	sld [smem:$0x3FB4]  }
0x2b: {  	s6 =	sld [smem:$0x3FB5]  }
0x2c: {  	s7 =	sld [smem:$0x3FB6]  }
0x2d: {  	s3 =	simm.s32 $0x108;
	s8 =	sld [smem:$0x3FB7]  }
0x2e: {  	s3 =	simm.s32 @!p0 $0x1082;
	s9 =	sld [smem:$0x3FB8]  }
0x2f: {  	lr =	sadd.s32 s0, s3;
	s0 =	sld [smem:$0x3FAF]  }
0x30: {  	s3 =	sld [smem:$0x3FB2]  }
0x31: {  	[smem:$0x3FBB] =	sst s10  }
0x32: {  	s10 =	sld [smem:$0x3FB9];
	_ =	sdelay $0x3  }
0x33: {  	p0 =	seq.s32 s10, $0x1;
	s10 =	sld [smem:$0x3FBB];
	_ =	sdelay $0x3  }
0x34: {  	[smem:$0x3FBB] =	sst s10  }
0x35: {  	s10 =	sld [smem:$0x3FBA];
	_ =	sdelay $0x3  }
0x36: {  	p1 =	seq.s32 s10, $0x1;
	s10 =	sld [smem:$0x3FBB];
	_ =	sdelay $0x3  }
0x37: {  	[smem:$0x3FBB] =	sst s10  }
0x38: {  	s10 =	sld [smem:$0x3FBC]  }
0x39: {  	_ = 	snop;
	(pc) =	sbr.ind lr, $3  }
0x3a: {  	_ = 	snop  }
0x3b: {  	_ = 	snop  }
0x3c: {  	p2 =	seq.s32 s10, $0x1;
	s10 =	sld [smem:$0x3FBB]  }
0x3d: {  	_ =	shalt  }
0x3e: {  	_ =	shalt  }
0x3f: {  	_ =	shalt  }
0x40: {  	_ =	shalt  }
0x41: {  	_ =	shalt  }
0x42: {  	_ =	shalt  }
0x43: {  	_ =	shalt  }
0x44: {  	_ =	shalt  }
0x45: {  	_ =	shalt  }
0x46: {  	_ =	shalt  }
0x47: {  	_ =	shalt  }
0x48: {  	_ =	shalt  }
0x49: {  	_ =	shalt  }
0x4a: {  	_ =	shalt  }
0x4b: {  	_ =	shalt  }
0x4c: {  	_ =	shalt  }
0x4d: {  	_ =	shalt  }
0x4e: {  	_ =	shalt  }
0x4f: {  	_ =	shalt  }
0x50: {  	_ =	shalt  }
0x51: {  	_ =	shalt  }
0x52: {  	_ =	shalt  }
0x53: {  	_ =	shalt  }
0x54: {  	_ =	shalt  }
0x55: {  	_ =	shalt  }
0x56: {  	_ =	shalt  }
0x57: {  	_ =	shalt  }
0x58: {  	_ =	shalt  }
0x59: {  	_ =	shalt  }
0x5a: {  	_ =	shalt  }
0x5b: {  	_ =	shalt  }
0x5c: {  	_ =	shalt  }
0x5d: {  	_ =	shalt  }
0x5e: {  	_ =	shalt  }
0x5f: {  	_ =	shalt  }
0x60: {  	_ =	shalt  }
0x61: {  	_ =	shalt  }
0x62: {  	_ =	shalt  }
0x63: {  	_ =	shalt  }
0x64: {  	_ =	shalt  }
0x65: {  	_ =	shalt  }
0x66: {  	_ =	shalt  }
0x67: {  	_ =	shalt  }
0x68: {  	_ =	shalt  }
0x69: {  	_ =	shalt  }
0x6a: {  	_ =	shalt  }
0x6b: {  	_ =	shalt  }
0x6c: {  	_ =	shalt  }
0x6d: {  	_ =	shalt  }
0x6e: {  	_ =	shalt  }
0x6f: {  	_ =	shalt  }
0x70: {  	_ =	shalt  }
0x71: {  	_ =	shalt  }
0x72: {  	_ =	shalt  }
0x73: {  	_ =	shalt  }
0x74: {  	_ =	shalt  }
0x75: {  	_ =	shalt  }
0x76: {  	_ =	shalt  }
0x77: {  	_ =	shalt  }
0x78: {  	_ =	shalt  }
0x79: {  	_ =	shalt  }
0x7a: {  	_ =	shalt  }
0x7b: {  	_ =	shalt  }
0x7c: {  	_ =	shalt  }
0x7d: {  	_ =	shalt  }
0x7e: {  	_ =	shalt  }
0x7f: {  	_ =	shalt  }
0x80: {  	_ =	shalt  }
0x81: {  	_ =	shalt  }
0x82: {  	_ =	shalt  }
0x83: {  	_ =	shalt  }
0x84: {  	_ =	shalt  }
0x85: {  	_ =	shalt  }
0x86: {  	_ =	shalt  }
0x87: {  	_ =	shalt  }
.Lfunc_end0:
.L_simem_size_0:
called_computation.1_lowered:
.L_overlay_start_0:
0x88: {  	s2 =	sld [smem:$0x3FD9]  }
0x89: {  	s3 =	sld [smem:$0x3FFE];
	_ =	sdelay $0x1  }
0x8a: {  	s1 =	srdreg.scid  }
0x8b: {  	s0 =	sand.u32 $0x1, s1  }
0x8c: {  	s16 =	sshll.u32 s0, $0xA;
	s2 =	sadd.s32 s3, s2  }
0x8d: {  	s2 =	sadd.s32 s2, s16  }
0x8e: {  	[smem:$0x3FC7] =	sst s2  }
0x8f: {  	_ = 	snop  }
0x90: {  	(tm) =	ssettm $0x1  }
0x91: {  	s17 =	sld [smem:$0x3FFB];
	_ =	sdelay $0x3  }
0x92: {  	_ =	strace s17  }
0x93: {  	s2 =	sld [smem:$0x3FFC];
	_ =	sdelay $0x3  }
0x94: {  	_ =	strace s2  }
0x95: {  	s2 =	sld [smem:$0x3FFD];
	_ =	sdelay $0x3  }
0x96: {  	_ =	strace s2  }
0x97: {  	_ =	strace $0x8FFFFFFF  }
0x98: {  	s18 =	sld [smem:$0x3FDB];
	_ =	sdelay $0x1  }
0x99: {  	s19 =	simm.s32 $_scs_section_size  }
0x9a: {  	s4 =	simm.s32 $_size__tile_overlayer_lowered;
	s5 =	simm.s32 $_tile_overlayer_lowered  }
0x9b: {  	s22 =	simm.s32 $0x1BFF;
	s21 =	sshll.u32 s5, $0x1;
	s2 =	sadd.s32 s19, s18  }
0x9c: {  	s6 =	simm.s32 $0x0;
	s20 =	sshll.u32 s4, $0x1;
	s4 =	sadd.s32 s21, s2  }
0x9d: {  	[timem:s6], [sflag:s22] =	dma.local [hbm:s4], s20  }
0x9e: {  	_ =	swait.ge [sflag:s22], s20  }
0x9f: {  	s3 =	ssub.s32 $0x0, s20;
	[sflag:s22] =	ssyncset.done $0x0  }
0xa0: {  	[sflag:s22] =	ssyncadd.s32 s3;
	_ =	sdelay $0x1  }
0xa1: {  	s23 =	simm.s32 $0x1B8B  }
0xa2: {  	_ =	swait.ge [sflag:s23], $0x1  }
0xa3: {  	[sflag:s23] =	ssyncset.done $0x0  }
0xa4: {  	s25 =	simm.s32 $0x1B8E;
	s24 =	sld [smem:$0x3FFE];
	[sflag:s23] =	ssyncadd.s32 $0xFFFFFFFF  }
0xa5: {  	s26 =	simm.s32 $execute0_lowered;
	[smem:$0x3FD2] =	sst s25  }
0xa6: {  	s4 =	sshll.u32 s26, $0x1;
	_ =	strace $0x80000049;
	[dreg:$0x1] =	wrdreg $0xFFFFFFFF  }
0xa7: {  	s28 =	simm.s32 $_size_execute0_lowered;
	s2 =	sadd.s32 s2, s4;
	[dreg:$0x0] =	wrdreg $0x0  }
0xa8: {  	s4 =	sshll.u32 s28, $0x1;
	[dreg:$0x2] =	wrdreg s2  }
0xa9: {  	[dreg:$0x3] =	wrdreg s4  }
0xaa: {  	[dreg:$0x4] =	wrdreg $0xC0  }
0xab: {  	_ =	task [dreg:s6], $0x5FFFF  }
0xac: {  	[dreg:$0x1] =	wrdreg $0xFFFFFFFF  }
0xad: {  	[dreg:$0x0] =	wrdreg $0x60  }
0xae: {  	[dreg:$0x2] =	wrdreg s24  }
0xaf: {  	[dreg:$0x3] =	wrdreg $0x9  }
0xb0: {  	_ =	task.clear_ibuf [dreg:s6], $0x4FFFF;
	_ =	strace $0x90000049  }
0xb1: {  	s29 =	simm.s32 $0x9;
	_ =	strace $0x8000004B  }
0xb2: {  	_ =	swait.ge [sflag:s29], $0x1  }
0xb3: {  	[sflag:s29] =	ssyncadd.s32 $0xFFFFFFFF  }
0xb4: {  	_ =	strace $0x9000004B  }
0xb5: {  	_ =	sfence  }
0xb6: {  	s30 =	sld [smem:$0x0];
	_ =	sdelay $0x2  }
0xb7: {  	s31 =	sshll.u32 s1, $0xD;
	s1 =	sshrl.u32 s1, $0x2  }
0xb8: {  	s3 =	sand.u32 $0x4000, s31;
	s1 =	sadd.s32 s1, s30  }
0xb9: {  	s0 =	sor.u32 s3, s0;
	s1 =	sshll.u32 s1, $0x11  }
0xba: {  	s0 =	sor.u32 s1, s0  }
0xbb: {  	s0 =	sadd.s32 $0x8F2B, s0  }
0xbc: {  	[sflag:s0] =	ssyncadd.remote.s32 $0x1  }
0xbd: {  	_ =	sfence.sel $0xFFFF  }
0xbe: {  	[dreg:$0x0] =	wrdreg $0xFFFFFFFF;
	(pc) =	sbr.abs _section_cstart, $3  }
0xbf: {  	[dreg:$0x1] =	wrdreg $0xFFFFFFFF  }
0xc0: {  	_ =	task.clear_ibuf [dreg:s6], $0x2FFFF;
	_ =	strace $0x9FFFFFFF  }
0xc1: {  	(tm) =	ssettm $0x7FFFFFFF  }
tec
execute0_lowered:
.L_overlay_start_1:
0x0: {  	(tag) =	ssettag $0x1  }
0x1: {  	s4 =	rddreg [dreg:$0x0]  }
0x2: {  	s0 =	rddreg [dreg:$0x1]  }
0x3: {  	s2 =	simm.s32 $0x0;
	s3 =	srdreg.scid;
	s1 =	stileid.u32  }
0x4: {  	s10 =	simm.s32 $0x1;
	s11 =	simm.s32 $0x8000;
	s12 =	simm.s32 $0x10000  }
0x5: {  	v0 =	vlaneseq.u32;
	s13 =	simm.s32 $0x2;
	s14 =	simm.s32 $0x12000;
	s15 =	simm.s32 $0x3  }
0x6: {  	s16 =	simm.s32 $0x4;
	s17 =	simm.s32 $0x0;
	[smem:$0x7FF] =	sst s2;
	v0 =	vmul.u32 $0x4, v0  }
0x7: {  	s5 =	sand.u32 $0x1, s3;
	s3 =	sadd.s32 $0x800, s4;
	s7 =	sshll.u32 s1, $0x1  }
0x8: {  	s4 =	sadd.s32 $0x800800, s4;
	s6 =	ssub.s32 $0x2, s5;
	s7 =	sor.u32 s5, s7;
	v1 =	vor.u32 $0x1, v0  }
0x9: {  	_ =	strace $0x8000004A;
	s8 =	sshrl.u32 s6, $0x1;
	s5 =	sshll.u32 s7, $0x15  }
0xa: {  	s31 =	sshll.u32 s7, $0x12;
	v2 =	vor.u32 $0x2, v0;
	s9 =	ssub.s32 s6, s8;
	s6 =	sshll.u32 s7, $0x13  }
0xb: {  	v3 =	vor.u32 $0x3, v0;
	s7 =	sadd.s32 s3, s31;
	s8 =	sor.u32 $0x10000, s5;
	s9 =	smax.u32 s9, $0x1  }
.LBB2_1:
0xc: {  	[tilespmem:s2], [sflag:$0x1] =	stream.linear.gather [hbm4b:s7+s2], $0x8000, $0x38;
	[tilespmem:$0x14000] =	vst v63  }
0xd: {  	s18 =	simm.s32 $0x0  }
.LBB2_2:
0xe: {  	s19 =	sshllo.u32 s18, $0x1  }
0xf: {  	s20 =	sshll.u32 s19, $0xF  }
0x10: {  	_ =	swait.ge [sflag:s10], $0x8000;
	s20 =	sadd.s32 s5, s20  }
0x11: {  	[sflag:s10] =	ssyncset.done $0x0;
	s20 =	sshrl.u32 s20, $0x3  }
0x12: {  	p0 =	seq.s32 s18, $0x0;
	[sflag:s10] =	ssyncadd.s32 $0xFFFF8000;
	s20 =	sadd.s32 s3, s20  }
0x13: {  	[tilespmem:s11], [sflag:$0x2] =	stream.linear.gather [hbm4b:s20+s2], $0x8000, $0x38;
	[tilespmem:$0x14000] =	vst v63  }
0x14: {  	s20 =	simm.s32 @!p0 $0x3  }
0x15: {  	_ =	swait.ge @!p0 [sflag:s20], $0x2000  }
0x16: {  	[sflag:s20] =	ssyncset.done @!p0 $0x0  }
0x17: {  	s22 =	simm.s32 $0x0;
	[sflag:s20] =	ssyncadd.s32 @!p0 $0xFFFFE000  }
0x18: {  	v4 =	vld.idx.msk [tilespmem:v0+s22+$0xC0], $0xffff  }
0x19: {  	v5 =	vld.idx.msk [tilespmem:v1+s22+$0xC0], $0xffff  }
0x1a: {  	v9 =	vld.idx.msk [tilespmem:v1+s22+$0x0], $0xffff  }
0x1b: {  	v6 =	vld.idx.msk [tilespmem:v2+s22+$0xC0], $0xffff  }
0x1c: {  	v8 =	vld.idx.msk [tilespmem:v0+s22+$0x40], $0xffff  }
0x1d: {  	v7 =	vld.idx.msk [tilespmem:v3+s22+$0xC0], $0xffff  }
0x1e: {  	v10 =	vld.idx.msk [tilespmem:v1+s22+$0x40], $0xffff  }
0x1f: {  	v11 =	vld.idx.msk [tilespmem:v0+s22+$0x80], $0xffff;
	v4 =	vadd.f32 v5, v4  }
0x20: {  	v12 =	vld.idx.msk [tilespmem:v1+s22+$0x80], $0xffff  }
0x21: {  	v13 =	vld.idx.msk [tilespmem:v0+s22+$0x0], $0xffff;
	v6 =	vadd.f32 v6, v4  }
0x22: {  	v5 =	vld.idx.msk [tilespmem:v2+s22+$0x40], $0xffff  }
0x23: {  	v10 =	vadd.f32 v10, v8;
	v8 =	vld.idx.msk [tilespmem:v3+s22+$0x40], $0xffff;
	v14 =	vadd.f32 v7, v6  }
0x24: {  	v4 =	vld.idx.msk [tilespmem:v2+s22+$0x0], $0xffff  }
0x25: {  	v7 =	vld.idx.msk [tilespmem:v2+s22+$0x80], $0xffff;
	v14 =	vmul.f32 $2.500000000e-01, v14  }
0x26: {  	s20 =	simm.s32 $0x10020;
	v6 =	vld.idx.msk [tilespmem:v3+s22+$0x0], $0xffff  }
0x27: {  	s21 =	simm.s32 $0x0;
	v11 =	vadd.f32 v12, v11;
	v12 =	vadd.f32 v9, v13;
	v9 =	vld.idx.msk [tilespmem:v3+s22+$0x80], $0xffff;
	s22 =	simm.s32 $0x100;
	[tilespmem:s20+$0x10] =	vst v14  }
.LBB2_3:
0x28: {  	v13 =	vld.idx.msk [tilespmem:v0+s22+$0xC0], $0xffff  }
0x29: {  	s21 =	sadd.s32 $0x4, s21;
	v5 =	vadd.f32 v5, v10;
	v14 =	vld.idx.msk [tilespmem:v1+s22+$0xC0], $0xffff;
	v4 =	vadd.f32 v4, v12  }
0x2a: {  	p0 =	slt.u32 s21, $0x1FC;
	v7 =	vadd.f32 v7, v11;
	v12 =	vld.idx.msk [tilespmem:v1+s22+$0x0], $0xffff  }
0x2b: {  	v10 =	vld.idx.msk [tilespmem:v2+s22+$0xC0], $0xffff;
	v4 =	vadd.f32 v6, v4  }
0x2c: {  	v5 =	vadd.f32 v8, v5;
	v6 =	vld.idx.msk [tilespmem:v0+s22+$0x40], $0xffff  }
0x2d: {  	v7 =	vadd.f32 v9, v7;
	v8 =	vld.idx.msk [tilespmem:v3+s22+$0xC0], $0xffff;
	v4 =	vmul.f32 $2.500000000e-01, v4  }
0x2e: {  	v5 =	vmul.f32 $2.500000000e-01, v5;
	v9 =	vld.idx.msk [tilespmem:v1+s22+$0x40], $0xffff  }
0x2f: {  	v13 =	vadd.f32 v14, v13;
	v11 =	vld.idx.msk [tilespmem:v0+s22+$0x80], $0xffff;
	[tilespmem:s20+$0xFFFFFFE0] =	vst v4;
	v4 =	vmul.f32 $2.500000000e-01, v7  }
0x30: {  	v14 =	vld.idx.msk [tilespmem:v1+s22+$0x80], $0xffff;
	[tilespmem:s20+$0xFFFFFFF0] =	vst v5  }
0x31: {  	v7 =	vadd.f32 v10, v13;
	v15 =	vld.idx.msk [tilespmem:v0+s22+$0x0], $0xffff;
	[tilespmem:s20+$0x0] =	vst v4  }
0x32: {  	v4 =	vld.idx.msk [tilespmem:v2+s22+$0x0], $0xffff  }
.Ltmp0:
0x33: {  	v8 =	vadd.f32 v8, v7;
	v5 =	vld.idx.msk [tilespmem:v2+s22+$0x40], $0xffff;
	(pc) =	sbr.rel @p0 .LBB2_3-.Ltmp0, $4  }
0x34: {  	v10 =	vadd.f32 v9, v6;
	v7 =	vld.idx.msk [tilespmem:v2+s22+$0x80], $0xffff  }
0x35: {  	v13 =	vmul.f32 $2.500000000e-01, v8;
	v6 =	vld.idx.msk [tilespmem:v3+s22+$0x0], $0xffff  }
0x36: {  	s20 =	sadd.s32 $0x40, s20;
	v11 =	vadd.f32 v14, v11;
	v8 =	vld.idx.msk [tilespmem:v3+s22+$0x40], $0xffff  }
0x37: {  	v12 =	vadd.f32 v12, v15;
	v9 =	vld.idx.msk [tilespmem:v3+s22+$0x80], $0xffff;
	[tilespmem:s20+$0x10] =	vst v13;
	s22 =	sadd.s32 $0x100, s22  }
0x38: {  	_ = 	snop  }
0x39: {  	v4 =	vadd.f32 v4, v12  }
0x3a: {  	v5 =	vadd.f32 v5, v10  }
0x3b: {  	v7 =	vadd.f32 v7, v11;
	v4 =	vadd.f32 v6, v4  }
0x3c: {  	v5 =	vadd.f32 v8, v5  }
0x3d: {  	v6 =	vadd.f32 v9, v7;
	v4 =	vmul.f32 $2.500000000e-01, v4  }
0x3e: {  	s21 =	sshll.u32 s18, $0xE;
	v5 =	vmul.f32 $2.500000000e-01, v5  }
0x3f: {  	s21 =	sadd.s32 s6, s21;
	[tilespmem:s20+$0xFFFFFFE0] =	vst v4;
	v4 =	vmul.f32 $2.500000000e-01, v6  }
0x40: {  	p0 =	seq.s32 s18, $0x1F;
	s21 =	sshrl.u32 s21, $0x3;
	[tilespmem:s20+$0xFFFFFFF0] =	vst v5  }
0x41: {  	s31 =	sadd.s32 s4, s21;
	[tilespmem:s20+$0x0] =	vst v4;
	s20 =	sshll.u32 @!p0 s18, $0x10  }
0x42: {  	[hbm4b:s31+s2] =	stream.linear.scatter [tilespmem:s12], [sflag:$0x3], $0x2000, $0x38;
	[tilespmem:$0x14000] =	vst v63  }
0x43: {  	s20 =	sadd.s32 @!p0 s20, s8;
	_ =	swait.ge [sflag:s13], $0x8000  }
0x44: {  	p1 =	seq.s32 @!p0 s18, $0x0;
	s20 =	sshrl.u32 @!p0 s20, $0x3;
	[sflag:s13] =	ssyncset.done $0x0  }
0x45: {  	s21 =	simm.s32 @!p0 $0x0;
	s20 =	sadd.s32 @!p0 s3, s20;
	[sflag:s13] =	ssyncadd.s32 $0xFFFF8000  }
0x46: {  	[tilespmem:s21], [sflag:$0x1] =	stream.linear.gather @!p0 [hbm4b:s20+s21], $0x8000, $0x38;
	[tilespmem:$0x14000] =	vst v63  }
0x47: {  	p0 =	por p0, !p1  }
0x48: {  	_ =	swait.ge @p0 [sflag:s16], $0x2000  }
0x49: {  	[sflag:s16] =	ssyncset.done @p0 $0x0  }
0x4a: {  	s22 =	simm.s32 $0x8000;
	[sflag:s16] =	ssyncadd.s32 @p0 $0xFFFFE000  }
0x4b: {  	v4 =	vld.idx.msk [tilespmem:v0+s22+$0xC0], $0xffff  }
0x4c: {  	v5 =	vld.idx.msk [tilespmem:v1+s22+$0xC0], $0xffff  }
0x4d: {  	v9 =	vld.idx.msk [tilespmem:v1+s22+$0x0], $0xffff  }
0x4e: {  	v6 =	vld.idx.msk [tilespmem:v2+s22+$0xC0], $0xffff  }
0x4f: {  	v8 =	vld.idx.msk [tilespmem:v0+s22+$0x40], $0xffff  }
0x50: {  	v7 =	vld.idx.msk [tilespmem:v3+s22+$0xC0], $0xffff  }
0x51: {  	v10 =	vld.idx.msk [tilespmem:v1+s22+$0x40], $0xffff  }
0x52: {  	v11 =	vld.idx.msk [tilespmem:v0+s22+$0x80], $0xffff;
	v4 =	vadd.f32 v5, v4  }
0x53: {  	v12 =	vld.idx.msk [tilespmem:v1+s22+$0x80], $0xffff  }
0x54: {  	v13 =	vld.idx.msk [tilespmem:v0+s22+$0x0], $0xffff;
	v6 =	vadd.f32 v6, v4  }
0x55: {  	v5 =	vld.idx.msk [tilespmem:v2+s22+$0x40], $0xffff  }
0x56: {  	v10 =	vadd.f32 v10, v8;
	v8 =	vld.idx.msk [tilespmem:v3+s22+$0x40], $0xffff;
	v14 =	vadd.f32 v7, v6  }
0x57: {  	v4 =	vld.idx.msk [tilespmem:v2+s22+$0x0], $0xffff  }
0x58: {  	v7 =	vld.idx.msk [tilespmem:v2+s22+$0x80], $0xffff;
	v14 =	vmul.f32 $2.500000000e-01, v14  }
0x59: {  	s20 =	simm.s32 $0x12020;
	v6 =	vld.idx.msk [tilespmem:v3+s22+$0x0], $0xffff  }
0x5a: {  	s21 =	simm.s32 $0x0;
	v11 =	vadd.f32 v12, v11;
	v12 =	vadd.f32 v9, v13;
	v9 =	vld.idx.msk [tilespmem:v3+s22+$0x80], $0xffff;
	s22 =	simm.s32 $0x8100;
	[tilespmem:s20+$0x10] =	vst v14  }
.LBB2_5:
0x5b: {  	v13 =	vld.idx.msk [tilespmem:v0+s22+$0xC0], $0xffff  }
0x5c: {  	s21 =	sadd.s32 $0x4, s21;
	v5 =	vadd.f32 v5, v10;
	v14 =	vld.idx.msk [tilespmem:v1+s22+$0xC0], $0xffff;
	v4 =	vadd.f32 v4, v12  }
0x5d: {  	p0 =	slt.u32 s21, $0x1FC;
	v7 =	vadd.f32 v7, v11;
	v12 =	vld.idx.msk [tilespmem:v1+s22+$0x0], $0xffff  }
0x5e: {  	v10 =	vld.idx.msk [tilespmem:v2+s22+$0xC0], $0xffff;
	v4 =	vadd.f32 v6, v4  }
0x5f: {  	v5 =	vadd.f32 v8, v5;
	v6 =	vld.idx.msk [tilespmem:v0+s22+$0x40], $0xffff  }
0x60: {  	v7 =	vadd.f32 v9, v7;
	v8 =	vld.idx.msk [tilespmem:v3+s22+$0xC0], $0xffff;
	v4 =	vmul.f32 $2.500000000e-01, v4  }
0x61: {  	v5 =	vmul.f32 $2.500000000e-01, v5;
	v9 =	vld.idx.msk [tilespmem:v1+s22+$0x40], $0xffff  }
0x62: {  	v13 =	vadd.f32 v14, v13;
	v11 =	vld.idx.msk [tilespmem:v0+s22+$0x80], $0xffff;
	[tilespmem:s20+$0xFFFFFFE0] =	vst v4;
	v4 =	vmul.f32 $2.500000000e-01, v7  }
0x63: {  	v14 =	vld.idx.msk [tilespmem:v1+s22+$0x80], $0xffff;
	[tilespmem:s20+$0xFFFFFFF0] =	vst v5  }
0x64: {  	v7 =	vadd.f32 v10, v13;
	v15 =	vld.idx.msk [tilespmem:v0+s22+$0x0], $0xffff;
	[tilespmem:s20+$0x0] =	vst v4  }
0x65: {  	v4 =	vld.idx.msk [tilespmem:v2+s22+$0x0], $0xffff  }
.Ltmp1:
0x66: {  	v8 =	vadd.f32 v8, v7;
	v5 =	vld.idx.msk [tilespmem:v2+s22+$0x40], $0xffff;
	(pc) =	sbr.rel @p0 .LBB2_5-.Ltmp1, $4  }
0x67: {  	v10 =	vadd.f32 v9, v6;
	v7 =	vld.idx.msk [tilespmem:v2+s22+$0x80], $0xffff  }
0x68: {  	v13 =	vmul.f32 $2.500000000e-01, v8;
	v6 =	vld.idx.msk [tilespmem:v3+s22+$0x0], $0xffff  }
0x69: {  	s20 =	sadd.s32 $0x40, s20;
	v11 =	vadd.f32 v14, v11;
	v8 =	vld.idx.msk [tilespmem:v3+s22+$0x40], $0xffff  }
0x6a: {  	v12 =	vadd.f32 v12, v15;
	v9 =	vld.idx.msk [tilespmem:v3+s22+$0x80], $0xffff;
	[tilespmem:s20+$0x10] =	vst v13;
	s22 =	sadd.s32 $0x100, s22  }
0x6b: {  	_ = 	snop  }
0x6c: {  	v4 =	vadd.f32 v4, v12  }
0x6d: {  	v5 =	vadd.f32 v5, v10  }
0x6e: {  	v7 =	vadd.f32 v7, v11;
	v4 =	vadd.f32 v6, v4  }
0x6f: {  	s18 =	sadd.s32 $0x1, s18;
	v5 =	vadd.f32 v8, v5  }
0x70: {  	p0 =	sne.s32 s18, $0x20;
	v63 =	vadd.f32 v9, v7;
	v4 =	vmul.f32 $2.500000000e-01, v4  }
.Ltmp2:
0x71: {  	s19 =	sshll.u32 s19, $0xD;
	v5 =	vmul.f32 $2.500000000e-01, v5;
	(pc) =	sbr.rel @p0 .LBB2_2-.Ltmp2, $4  }
0x72: {  	s19 =	sadd.s32 s6, s19;
	[tilespmem:s20+$0xFFFFFFE0] =	vst v4;
	v4 =	vmul.f32 $2.500000000e-01, v63  }
0x73: {  	s19 =	sshrl.u32 s19, $0x3;
	[tilespmem:s20+$0xFFFFFFF0] =	vst v5  }
0x74: {  	s19 =	sadd.s32 s4, s19;
	[tilespmem:s20+$0x0] =	vst v4  }
0x75: {  	[hbm4b:s19+s2] =	stream.linear.scatter [tilespmem:s14], [sflag:$0x4], $0x2000, $0x38;
	[tilespmem:$0x14000] =	vst v63  }
0x76: {  	s17 =	sadd.s32 $0x1, s17  }
0x77: {  	_ =	swait.ge [sflag:s15], $0x2000;
	p0 =	sne.s32 s17, s9  }
.Ltmp3:
0x78: {  	[sflag:s15] =	ssyncset.done $0x0;
	(pc) =	sbr.rel @p0 .LBB2_1-.Ltmp3, $4  }
0x79: {  	[sflag:s15] =	ssyncadd.s32 $0xFFFFE000  }
0x7a: {  	_ =	swait.ge [sflag:s16], $0x2000  }
0x7b: {  	[sflag:s16] =	ssyncset.done $0x0  }
0x7c: {  	[sflag:s16] =	ssyncadd.s32 $0xFFFFE000  }
0x7d: {  	_ =	sfence.sel $0x180000  }
0x7e: {  	[bflag:$0x0] =	sbarrier.arrive $0xFFFF  }
0x7f: {  	p0 =	sne.s32 s1, $0x0;
	_ =	strace $0x9000004A  }
0x80: {  	s0 =	sadd.s32 @!p0 $0x100000, s0;
	[bflag:$0x2] =	sbarrier.arrive $0xFFFF  }
0x81: {  	[sflag:s0] =	ssyncadd.tile.s32 @!p0 $0x1;
	_ =	shalt  }
.Lfunc_end2:
_tile_overlayer_lowered:
.L_overlay_start_2:
0x82: {  	(tag) =	ssettag $0x2  }
0x83: {  	s0 =	rddreg [dreg:$0x0];
	s2 =	stileid.u32  }
0x84: {  	s1 =	rddreg [dreg:$0x1];
	p0 =	sne.s32 s2, $0x0  }
0x85: {  	s3 =	rddreg [dreg:$0x2];
	[bflag:$0x3] =	sbarrier.arrive $0xFFFF;
	s2 =	simm.s32 @!p0 $0x1C05  }
0x86: {  	[timem:s3], [sflag:s2] =	dma.local @!p0 [hbm:s0], s1  }
0x87: {  	s0 =	simm.s32 @!p0 $0x5  }
0x88: {  	_ =	swait.ge @!p0 [sflag:s0], s1  }
0x89: {  	s1 =	ssub.s32 @!p0 $0x0, s1;
	[sflag:s0] =	ssyncset.done @!p0 $0x0  }
0x8a: {  	[sflag:s0] =	ssyncadd.s32 @!p0 s1  }
0x8b: {  	[bflag:$0x3] =	sbarrier.arrive $0xFFFF  }
0x8c: {  	_ =	shalt  }

// kernel: sparse-core-data-format-call.cloned.1.call-start
scs
called_computation_lowered:
.L_overlay_start_0:
0x0: {  	s2 =	sld [smem:$0x3FD9]  }
0x1: {  	s3 =	sld [smem:$0x3FFE];
	_ =	sdelay $0x1  }
0x2: {  	s1 =	srdreg.scid  }
0x3: {  	s0 =	sand.u32 $0x1, s1  }
0x4: {  	s18 =	sshll.u32 s0, $0xA;
	s2 =	sadd.s32 s3, s2  }
0x5: {  	s2 =	sadd.s32 s2, s18  }
0x6: {  	[smem:$0x3FC7] =	sst s2  }
0x7: {  	_ = 	snop  }
0x8: {  	s2 =	sld [smem:$0x3FC9];
	(tm) =	ssettm $0x1  }
0x9: {  	s19 =	sld [smem:$0x3FFB];
	_ =	sdelay $0x3  }
0xa: {  	_ =	strace s19  }
0xb: {  	s3 =	sld [smem:$0x3FFC];
	_ =	sdelay $0x3  }
0xc: {  	_ =	strace s3  }
0xd: {  	s3 =	sld [smem:$0x3FFD];
	_ =	sdelay $0x3  }
0xe: {  	_ =	strace s3  }
0xf: {  	_ =	strace $0x8FFFFFFF  }
0x10: {  	s20 =	sld [smem:$0x3FDB];
	_ =	sdelay $0x1  }
0x11: {  	s4 =	simm.s32 $_scs_section_size  }
0x12: {  	s5 =	simm.s32 $_size__tile_overlayer_lowered;
	s6 =	simm.s32 $_tile_overlayer_lowered  }
0x13: {  	s23 =	simm.s32 $0x1BFF;
	s22 =	sshll.u32 s6, $0x1;
	s3 =	sadd.s32 s4, s20  }
0x14: {  	s7 =	simm.s32 $0x0;
	s21 =	sshll.u32 s5, $0x1;
	s5 =	sadd.s32 s22, s3  }
0x15: {  	[timem:s7], [sflag:s23] =	dma.local [hbm:s5], s21  }
0x16: {  	_ =	swait.ge [sflag:s23], s21  }
0x17: {  	s4 =	ssub.s32 $0x0, s21;
	[sflag:s23] =	ssyncset.done $0x0  }
0x18: {  	[sflag:s23] =	ssyncadd.s32 s4;
	_ =	sdelay $0x1  }
0x19: {  	s24 =	simm.s32 $0x1B8B  }
0x1a: {  	_ =	swait.ge [sflag:s24], $0x1  }
0x1b: {  	[sflag:s24] =	ssyncset.done $0x0  }
0x1c: {  	s26 =	simm.s32 $0x1B8E;
	s25 =	sld [smem:$0x3FFE];
	[sflag:s24] =	ssyncadd.s32 $0xFFFFFFFF  }
0x1d: {  	s27 =	simm.s32 $execute0_lowered;
	[smem:$0x3FD2] =	sst s26  }
0x1e: {  	s5 =	sshll.u32 s27, $0x1;
	_ =	strace $0x80000046;
	[dreg:$0x1] =	wrdreg $0xFFFFFFFF  }
0x1f: {  	s28 =	simm.s32 $_size_execute0_lowered;
	s3 =	sadd.s32 s3, s5;
	[dreg:$0x0] =	wrdreg $0x0  }
0x20: {  	s5 =	sshll.u32 s28, $0x1;
	[dreg:$0x2] =	wrdreg s3  }
0x21: {  	[dreg:$0x3] =	wrdreg s5  }
0x22: {  	[dreg:$0x4] =	wrdreg $0xC0  }
0x23: {  	_ =	task [dreg:s7], $0x5FFFF  }
0x24: {  	[dreg:$0x1] =	wrdreg $0xFFFFFFFF  }
0x25: {  	[dreg:$0x0] =	wrdreg $0x60  }
0x26: {  	[dreg:$0x2] =	wrdreg s2  }
0x27: {  	[dreg:$0x3] =	wrdreg s25  }
0x28: {  	[dreg:$0x4] =	wrdreg $0x9  }
0x29: {  	_ =	task.clear_ibuf [dreg:s7], $0x5FFFF;
	_ =	strace $0x90000046  }
0x2a: {  	s29 =	simm.s32 $0x9;
	_ =	strace $0x80000048  }
0x2b: {  	_ =	swait.ge [sflag:s29], $0x1  }
0x2c: {  	[sflag:s29] =	ssyncadd.s32 $0xFFFFFFFF  }
0x2d: {  	_ =	strace $0x90000048  }
0x2e: {  	_ =	sfence  }
0x2f: {  	s30 =	sld [smem:$0x0];
	_ =	sdelay $0x2  }
0x30: {  	s31 =	sshll.u32 s1, $0xD;
	s1 =	sshrl.u32 s1, $0x2  }
0x31: {  	s3 =	sand.u32 $0x4000, s31;
	s1 =	sadd.s32 s1, s30  }
0x32: {  	s0 =	sor.u32 s3, s0;
	s1 =	sshll.u32 s1, $0x11  }
0x33: {  	s0 =	sor.u32 s1, s0  }
0x34: {  	s0 =	sadd.s32 $0x8F2B, s0  }
0x35: {  	[sflag:s0] =	ssyncadd.remote.s32 $0x1  }
0x36: {  	_ =	sfence.sel $0xFFFF  }
0x37: {  	[dreg:$0x0] =	wrdreg $0xFFFFFFFF;
	(pc) =	sbr.abs _section_cstart, $3  }
0x38: {  	[dreg:$0x1] =	wrdreg $0xFFFFFFFF  }
0x39: {  	_ =	task.clear_ibuf [dreg:s7], $0x2FFFF;
	_ =	strace $0x9FFFFFFF  }
0x3a: {  	(tm) =	ssettm $0x7FFFFFFF  }
0x3b: {  	_ =	shalt  }
tec
execute0_lowered:
.L_overlay_start_1:
0x0: {  	(tag) =	ssettag $0x1  }
0x1: {  	s2 =	rddreg [dreg:$0x0]  }
0x2: {  	s1 =	rddreg [dreg:$0x1]  }
0x3: {  	s0 =	rddreg [dreg:$0x2];
	_ =	strace $0x80000047;
	s4 =	srdreg.scid  }
0x4: {  	s6 =	simm.s32 $0x2;
	s11 =	simm.s32 $0x0;
	p0 =	por $0x0, $0x0  }
.Ltmp0:
0x5: {  	s7 =	simm.s32 $0x4000;
	s12 =	simm.s32 $0x0;
	(pc) =	sbr.rel .LBB1_1-.Ltmp0, $4  }
0x6: {  	s9 =	simm.s32 $0x0;
	s3 =	sadd.s32 $0x800, s1;
	s5 =	sshll.u32 s4, $0x4  }
0x7: {  	s1 =	stileid.u32;
	s4 =	simm.s32 $0x1;
	s5 =	sand.u32 $0x10, s5  }
0x8: {  	s8 =	simm.s32 $0x0;
	[sflag:s4] =	ssyncpa.u1 $0x0;
	s5 =	sor.u32 s1, s5  }
0x9: {  	[sflag:s6] =	ssyncpa.u1 $0x0;
	s6 =	simm.s32 $0x800;
	s10 =	smov.u32 s5  }
.LBB1_7:
0xa: {  	s13 =	sadd.s32 $0x10, s9  }
0xb: {  	s11 =	sadd.s32 $0x20, s10;
	s15 =	smov.u32 s10;
	p2 =	sgt.s32 s13, $0x7F  }
0xc: {  	p1 =	slt.u32 s8, $0x2;
	s15 =	smov.u32 @p2 s11  }
0xd: {  	s8 =	sadd.s32 $0x1, s8;
	s13 =	simm.s32 @p2 $0x0;
	p2 =	sgt.s32 s15, $0x1FF  }
0xe: {  	s15 =	smov.u32 @p2 s5;
	p2 =	sne.s32 s8, $0x82  }
.Ltmp1:
0xf: {  	_ = 	snop;
	(pc) =	sbr.rel @!p2 .LBB1_8-.Ltmp1, $4  }
0x10: {  	s14 =	simm.s32 @!p1 $0x2  }
0x11: {  	s12 =	smov.u32 s10;
	_ =	swait.ge @!p1 [sflag:s14], $0x4000  }
0x12: {  	p0 =	por !p0, !p0;
	s11 =	smov.u32 s9;
	[sflag:s14] =	ssyncset.done @!p1 $0x0  }
0x13: {  	s9 =	smov.u32 s13;
	[sflag:s14] =	ssyncadd.s32 @!p1 $0xFFFFC000;
	s10 =	smov.u32 s15  }
.LBB1_1:
0x14: {  	p1 =	sgt.u32 s8, $0x7F  }
0x15: {  	s13 =	sxor.u32 @!p1 $0xFFFFFFFF, s8;
	s14 =	sshll.u32 @!p1 s10, $0xE  }
0x16: {  	s15 =	sshll.u32 @!p1 s9, $0x7;
	s13 =	sshll.u32 @!p1 s13, $0xE;
	s14 =	sadd.s32 @!p1 s2, s14  }
0x17: {  	s13 =	sand.u32 @!p1 $0x4000, s13;
	s14 =	sadd.s32 @!p1 s15, s14;
	s15 =	simm.s32 @!p1 $0x0  }
0x18: {  	[tilespmem:s13], [sflag:$0x1] =	stream.linear.gather @!p1 [hbm4b:s14+s15], $0x4000, $0x38;
	[tilespmem:$0x10000] =	vst v63  }
0x19: {  	p1 =	seq.s32 s8, $0x0  }
0x1a: {  	p2 =	seq.s32 @!p1 s8, $0x81  }
0x1b: {  	p1 =	por p1, p2  }
.Ltmp2:
0x1c: {  	_ = 	snop;
	(pc) =	sbr.rel @p1 .LBB1_7-.Ltmp2, $1  }
0x1d: {  	_ =	sdelay $0x3  }
0x1e: {  	s13 =	simm.s32 $0x1;
	_ =	swait.ge [sflag:s4], $0x4000;
	s16 =	sshll.u32 s8, $0xE  }
0x1f: {  	s13 =	simm.s32 @!p0 $0x0;
	[sflag:s4] =	ssyncset.done $0x0;
	s31 =	sand.u32 $0x4000, s16  }
0x20: {  	s16 =	simm.s32 $0x0;
	s14 =	sshll.u32 s13, $0xE;
	[sflag:s4] =	ssyncadd.s32 $0xFFFFC000  }
0x21: {  	s13 =	sor.u32 $0x8040, s14;
	s15 =	sor.u32 $0x40, s14;
	s14 =	sor.u32 $0x8000, s31  }
.LBB1_3:
0x22: {  	v0 =	vmov s15;
	_ =	sdelay $0x3  }
0x23: {  	s18 =	simm.s32 $0x0  }
0x24: {  	v6 =	vld.idx.msk [tilespmem:v0+s18+$0x30 ss:$0x1], $0xffff  }
0x25: {  	v7 =	vld.idx.msk [tilespmem:v0+s18+$0xFFFFFFC0 ss:$0x1], $0xffff  }
0x26: {  	v5 =	vld.idx.msk [tilespmem:v0+s18+$0xFFFFFFD0 ss:$0x1], $0xffff  }
0x27: {  	v4 =	vld.idx.msk [tilespmem:v0+s18+$0xFFFFFFE0 ss:$0x1], $0xffff  }
0x28: {  	v3 =	vld.idx.msk [tilespmem:v0+s18+$0xFFFFFFF0 ss:$0x1], $0xffff  }
0x29: {  	v1 =	vld.idx.msk [tilespmem:v0+s18+$0x0 ss:$0x1], $0xffff  }
0x2a: {  	v2 =	vld.idx.msk [tilespmem:v0+s18+$0x10 ss:$0x1], $0xffff;
	[tilespmem:s13+$0x30] =	vst v6  }
0x2b: {  	s17 =	simm.s32 $0x80;
	s19 =	simm.s32 $0x400;
	[tilespmem:s13+$0xFFFFFFC0] =	vst v7;
	v6 =	vld.idx.msk [tilespmem:v0+s18+$0x20 ss:$0x1], $0xffff;
	s18 =	smov.u32 s13  }
.LBB1_4:
0x2c: {  	p1 =	sne.s32 s19, $0xE00;
	v7 =	vld.idx.msk [tilespmem:v0+s17+$0x30 ss:$0x1], $0xffff;
	[tilespmem:s18+$0xFFFFFFD0] =	vst v5  }
0x2d: {  	v8 =	vld.idx.msk [tilespmem:v0+s17+$0xFFFFFFC0 ss:$0x1], $0xffff;
	[tilespmem:s18+$0xFFFFFFE0] =	vst v4  }
0x2e: {  	v5 =	vld.idx.msk [tilespmem:v0+s17+$0xFFFFFFD0 ss:$0x1], $0xffff;
	[tilespmem:s18+$0xFFFFFFF0] =	vst v3  }
.Ltmp3:
0x2f: {  	v4 =	vld.idx.msk [tilespmem:v0+s17+$0xFFFFFFE0 ss:$0x1], $0xffff;
	[tilespmem:s18+$0x0] =	vst v1;
	(pc) =	sbr.rel @p1 .LBB1_4-.Ltmp3, $4  }
0x30: {  	v3 =	vld.idx.msk [tilespmem:v0+s17+$0xFFFFFFF0 ss:$0x1], $0xffff;
	[tilespmem:s18+$0x10] =	vst v2  }
0x31: {  	v1 =	vld.idx.msk [tilespmem:v0+s17+$0x0 ss:$0x1], $0xffff;
	[tilespmem:s18+$0x20] =	vst v6;
	s18 =	sadd.s32 $0x800, s18  }
0x32: {  	v2 =	vld.idx.msk [tilespmem:v0+s17+$0x10 ss:$0x1], $0xffff;
	[tilespmem:s18+$0x30] =	vst v7  }
0x33: {  	[tilespmem:s18+$0xFFFFFFC0] =	vst v8;
	v6 =	vld.idx.msk [tilespmem:v0+s17+$0x20 ss:$0x1], $0xffff;
	s17 =	sshra.s32 s19, $0x2;
	s19 =	sadd.s32 $0x200, s19  }
0x34: {  	_ =	sdelay $0x2  }
0x35: {  	[tilespmem:s18+$0xFFFFFFD0] =	vst v5  }
0x36: {  	v56 =	vld.idx.msk [tilespmem:v0+s17+$0x30 ss:$0x1], $0xffff;
	[tilespmem:s18+$0xFFFFFFE0] =	vst v4  }
0x37: {  	v57 =	vld.idx.msk [tilespmem:v0+s17+$0xFFFFFFC0 ss:$0x1], $0xffff;
	[tilespmem:s18+$0xFFFFFFF0] =	vst v3  }
0x38: {  	v58 =	vld.idx.msk [tilespmem:v0+s17+$0xFFFFFFD0 ss:$0x1], $0xffff;
	[tilespmem:s18+$0x0] =	vst v1  }
0x39: {  	v59 =	vld.idx.msk [tilespmem:v0+s17+$0xFFFFFFE0 ss:$0x1], $0xffff;
	[tilespmem:s18+$0x10] =	vst v2  }
0x3a: {  	v60 =	vld.idx.msk [tilespmem:v0+s17+$0xFFFFFFF0 ss:$0x1], $0xffff;
	s31 =	sadd.s32 $0x800, s18;
	[tilespmem:s18+$0x20] =	vst v6  }
0x3b: {  	v61 =	vld.idx.msk [tilespmem:v0+s17+$0x0 ss:$0x1], $0xffff;
	[tilespmem:s31+$0x30] =	vst v56  }
0x3c: {  	v62 =	vld.idx.msk [tilespmem:v0+s17+$0x10 ss:$0x1], $0xffff;
	s16 =	sadd.s32 $0x1, s16;
	[tilespmem:s31+$0xFFFFFFC0] =	vst v57  }
0x3d: {  	v63 =	vld.idx.msk [tilespmem:v0+s17+$0x20 ss:$0x1], $0xffff;
	p1 =	sne.s32 s16, $0x10;
	[tilespmem:s31+$0xFFFFFFD0] =	vst v58  }
.Ltmp4:
0x3e: {  	[tilespmem:s31+$0xFFFFFFE0] =	vst v59;
	(pc) =	sbr.rel @p1 .LBB1_3-.Ltmp4, $4  }
0x3f: {  	[tilespmem:s31+$0xFFFFFFF0] =	vst v60  }
0x40: {  	[tilespmem:s31+$0x0] =	vst v61  }
0x41: {  	[tilespmem:s31+$0x10] =	vst v62  }
0x42: {  	s13 =	sadd.s32 $0x80, s13;
	s15 =	sadd.s32 $0x400, s15;
	[tilespmem:s31+$0x20] =	vst v63  }
.Ltmp5:
0x43: {  	(pc) =	sbr.rel .LBB1_7-.Ltmp5, $4  }
0x44: {  	s12 =	sshll.u32 s12, $0xE;
	s11 =	sshll.u32 s11, $0x4  }
0x45: {  	s11 =	sand.u32 $0x7F0, s11;
	s12 =	sadd.s32 s3, s12  }
0x46: {  	s11 =	sadd.s32 s11, s12  }
0x47: {  	[hbm4b:s11+s6] =	stream.strided.scatter [tilespmem:s14], [sflag:$0x2], $0x4000, s7, s6, $0x38;
	[tilespmem:$0x10000] =	vst v63  }
.LBB1_8:
0x48: {  	_ =	sfence.sel $0x180000  }
0x49: {  	s2 =	simm.s32 $0x1;
	[bflag:$0x0] =	sbarrier.arrive $0xFFFF  }
0x4a: {  	s31 =	simm.s32 $0x2;
	[sflag:s2] =	ssyncpa.u1 $0x1  }
0x4b: {  	[sflag:s31] =	ssyncpa.u1 $0x1  }
0x4c: {  	p0 =	sne.s32 s1, $0x0;
	_ =	strace $0x90000047  }
0x4d: {  	s0 =	sadd.s32 @!p0 $0x100000, s0;
	[bflag:$0x2] =	sbarrier.arrive $0xFFFF  }
0x4e: {  	[sflag:s0] =	ssyncadd.tile.s32 @!p0 $0x1;
	_ =	shalt  }
.Lfunc_end1:
_tile_overlayer_lowered:
.L_overlay_start_2:
0x4f: {  	(tag) =	ssettag $0x2  }
0x50: {  	s0 =	rddreg [dreg:$0x0];
	s2 =	stileid.u32  }
0x51: {  	s1 =	rddreg [dreg:$0x1];
	p0 =	sne.s32 s2, $0x0  }
0x52: {  	s3 =	rddreg [dreg:$0x2];
	[bflag:$0x3] =	sbarrier.arrive $0xFFFF;
	s2 =	simm.s32 @!p0 $0x1C01  }
0x53: {  	[timem:s3], [sflag:s2] =	dma.local @!p0 [hbm:s0], s1  }
0x54: {  	s0 =	simm.s32 @!p0 $0x1  }
0x55: {  	_ =	swait.ge @!p0 [sflag:s0], s1  }
0x56: {  	s1 =	ssub.s32 @!p0 $0x0, s1;
	[sflag:s0] =	ssyncset.done @!p0 $0x0  }
0x57: {  	[sflag:s0] =	ssyncadd.s32 @!p0 s1  }
0x58: {  	[bflag:$0x3] =	sbarrier.arrive $0xFFFF  }
0x59: {  	_ =	shalt  }

</sc_bundles>
